<compile_context>
chip_gen: v7x
topology: tpu7x:2x2x1
jax: 0.10.2.dev20260603
libtpu: 0.0.44.dev20260713+nightly
codegen_flags: <defaults>
</compile_context>

<pallas_src>
import functools

import jax
import jax.numpy as jnp
from jax import lax
from jax.experimental import pallas as pl
from jax.experimental.pallas import tpu as pltpu
from jax.experimental.pallas import tpu_sc as plsc

D_EMBED = 128
N_VOCAB = 101
BATCH = 4096
SEQ = 200
CHUNK = 100
N_CHUNK = SEQ // CHUNK


def _sc_embed(x2, embed, cls_row):
    info = plsc.get_sparse_core_info()
    nw = info.num_cores * info.num_subcores
    nb = BATCH // nw

    mesh = plsc.VectorSubcoreMesh(core_axis_name="c", subcore_axis_name="s")

    @functools.partial(
        pl.kernel,
        out_type=jax.ShapeDtypeStruct((BATCH, SEQ + 1, D_EMBED), jnp.float32),
        mesh=mesh,
        scratch_types=[
            pltpu.VMEM_SHARED((N_VOCAB, D_EMBED), jnp.float32),
            pltpu.VMEM((nb * N_CHUNK, CHUNK), jnp.int32),
            pltpu.VMEM((SEQ + 1, D_EMBED), jnp.float32),
            pltpu.VMEM((SEQ + 1, D_EMBED), jnp.float32),
            pltpu.SemaphoreType.DMA,
            pltpu.SemaphoreType.DMA,
            pltpu.SemaphoreType.DMA,
        ],
    )
    def k(x_hbm, tab_hbm, cls_hbm, out_hbm, tab_v, idx_v, buf_a, buf_b,
          gsem, osem_a, osem_b):
        sid = lax.axis_index("s")
        wid = sid * info.num_cores + lax.axis_index("c")

        @pl.when(sid == 0)
        def _():
            pltpu.sync_copy(tab_hbm, tab_v)
        pltpu.sync_copy(cls_hbm, buf_a.at[pl.ds(0, 1)])
        pltpu.sync_copy(cls_hbm, buf_b.at[pl.ds(0, 1)])
        plsc.subcore_barrier()
        pltpu.sync_copy(x_hbm.at[pl.ds(wid * (nb * N_CHUNK), nb * N_CHUNK)], idx_v)

        def gather(j, buf):
            cps = []
            for c in range(N_CHUNK):
                cps.append(pltpu.async_copy(
                    tab_v.at[idx_v.at[j * N_CHUNK + c]],
                    buf.at[pl.ds(1 + c * CHUNK, CHUNK)],
                    gsem))
            for cp in cps:
                cp.wait()

        def put(j, buf, sem):
            return pltpu.async_copy(buf, out_hbm.at[wid * nb + j], sem)

        gather(0, buf_a)

        def body(i, carry):
            wa = put(2 * i, buf_a, osem_a)
            gather(2 * i + 1, buf_b)
            wb = put(2 * i + 1, buf_b, osem_b)
            wa.wait()

            @pl.when(i + 1 < nb // 2)
            def _():
                gather(2 * i + 2, buf_a)
            wb.wait()
            return carry

        lax.fori_loop(0, nb // 2, body, 0)

    return k(x2, embed, cls_row)


def kernel(x, embed, first_cls):
    x2 = x.astype(jnp.int32).reshape(BATCH * N_CHUNK, CHUNK)
    cls_row = first_cls.reshape(1, D_EMBED)
    return _sc_embed(x2, embed, cls_row)

# --- scband reference (transcript-rebuilt; emitter-appended) ---
"""Pipeline reference for scband-mean-token-embed-9981503996186 (READ-ONLY COPY).

The authoritative reference and input builder live on the scoring server;
editing this copy changes nothing except your own understanding.
"""

import jax, jax.numpy as jnp
import numpy as np

D_EMBED = 128
N_VOCAB = 101
BATCH = 4096
SEQ = 200

def setup_inputs(seed: int = 0) -> dict:
    key = jax.random.key(seed)
    k1, k2, k3 = jax.random.split(key, 3)
    x = jax.random.randint(k1, (BATCH, SEQ), 0, N_VOCAB, dtype=jnp.int64 if jax.config.jax_enable_x64 else jnp.int32)
    embed = jax.random.normal(k2, (N_VOCAB, D_EMBED), dtype=jnp.float32)
    first_cls = jax.random.normal(k3, (1, 1, D_EMBED), dtype=jnp.float32)
    return {"x": x, "embed": embed, "first_cls": first_cls}

def reference(x, embed, first_cls):
    # x = self.embed(x)
    e = jnp.take(embed, x, axis=0)
    # x = x.reshape(x.shape[0], -1, x.shape[-1])
    e = e.reshape(e.shape[0], -1, e.shape[-1])
    b, n, d = e.shape
    # sw_cls=False (default): skip second_cls insertion
    # fw_cls=True (default): prepend first_cls
    fc = jnp.broadcast_to(first_cls, (b, 1, d))
    out = jnp.concatenate([fc, e], axis=1)
    return out

if __name__ == "__main__":
    import jax
    _d = setup_inputs()
    print(jax.jit(kernel)(*tuple(_d.values())))

</pallas_src>

<mosaic_0001>
#map = affine_map<(d0, d1) -> (0, 0)>
#map1 = affine_map<(d0, d1) -> (0, 0, 0)>
module attributes {stable_mosaic.version = 14 : i64} {
  func.func @k(%arg0: i32, %arg1: i32, %arg2: memref<8192x100xi32, #tpu.memory_space<hbm>>, %arg3: memref<101x128xf32, #tpu.memory_space<hbm>>, %arg4: memref<1x128xf32, #tpu.memory_space<hbm>>, %arg5: memref<4096x201x128xf32, #tpu.memory_space<hbm>>, %arg6: memref<101x128xf32, #tpu.memory_space<vmem_shared>>, %arg7: memref<256x100xi32, #tpu.memory_space<vmem>>, %arg8: memref<201x128xf32, #tpu.memory_space<vmem>>, %arg9: memref<201x128xf32, #tpu.memory_space<vmem>>, %arg10: memref<!tpu.dma_semaphore, #tpu.memory_space<semaphore_mem>>, %arg11: memref<!tpu.dma_semaphore, #tpu.memory_space<semaphore_mem>>, %arg12: memref<!tpu.dma_semaphore, #tpu.memory_space<semaphore_mem>>) attributes {dimension_semantics = [#tpu.dimension_semantics<core_parallel>, #tpu.dimension_semantics<subcore_parallel>], iteration_bounds = array<i64: 2, 16>, scalar_prefetch = 0 : i64, scratch_operands = 7 : i64, tpu.core_type = #tpu.core_type<sc_vector_subcore>, window_params = [{transform_indices = #map}, {transform_indices = #map}, {transform_indices = #map}, {transform_indices = #map1}]} {
    %mul3A = arith.constant 2 : i32
    %mul3A_0 = arith.muli %arg1, %mul3A : i32
    %add3A = arith.addi %mul3A_0, %arg0 : i32
    %eq3A = arith.constant 0 : i32
    %eq3A_1 = arith.cmpi eq, %arg1, %eq3A : i32
    %convert_element_type3A = arith.extui %eq3A_1 : i1 to i32
    %cond3A = arith.constant 0 : i32
    %cond3A_2 = arith.cmpi ne, %convert_element_type3A, %cond3A : i32
    scf.if %cond3A_2 {
      "tpu.region"() ({
        %run_scoped3A = tpu.sem_alloc : memref<!tpu.dma_semaphore, #tpu.memory_space<semaphore_mem>>
        tpu.enqueue_dma source(%arg3 : memref<101x128xf32, #tpu.memory_space<hbm>>) target(%arg6 : memref<101x128xf32, #tpu.memory_space<vmem_shared>>) target_semaphore(%run_scoped3A : memref<!tpu.dma_semaphore, #tpu.memory_space<semaphore_mem>>)
        tpu.wait_dma2 semaphore(%run_scoped3A : memref<!tpu.dma_semaphore, #tpu.memory_space<semaphore_mem>>) src(%arg3 : memref<101x128xf32, #tpu.memory_space<hbm>>) dst(%arg6 : memref<101x128xf32, #tpu.memory_space<vmem_shared>>)
        tpu.yield
      }) : () -> ()
    } else {
    }
    "tpu.region"() ({
      %run_scoped3A = tpu.sem_alloc : memref<!tpu.dma_semaphore, #tpu.memory_space<semaphore_mem>>
      %dma_start3A_48 = arith.constant 0 : i32
      %dma_start3A_49 = arith.constant 0 : i32
      %dma_start3A_50 = tpu.memref_slice %arg8[%dma_start3A_48, %dma_start3A_49] : memref<201x128xf32, #tpu.memory_space<vmem>> -> memref<1x128xf32, #tpu.memory_space<vmem>>
      %dma_start3A_51 = arith.constant 0 : i32
      %dma_start3A_52 = arith.constant 0 : i32
      %dma_start3A_53 = tpu.memref_slice %arg8[%dma_start3A_51, %dma_start3A_52] : memref<201x128xf32, #tpu.memory_space<vmem>> -> memref<1x128xf32, #tpu.memory_space<vmem>>
      tpu.enqueue_dma source(%arg4 : memref<1x128xf32, #tpu.memory_space<hbm>>) target(%dma_start3A_53 : memref<1x128xf32, #tpu.memory_space<vmem>>) target_semaphore(%run_scoped3A : memref<!tpu.dma_semaphore, #tpu.memory_space<semaphore_mem>>)
      %dma_wait3A_54 = arith.constant 0 : i32
      %dma_wait3A_55 = arith.constant 0 : i32
      %dma_wait3A_56 = tpu.memref_slice %arg8[%dma_wait3A_54, %dma_wait3A_55] : memref<201x128xf32, #tpu.memory_space<vmem>> -> memref<1x128xf32, #tpu.memory_space<vmem>>
      %dma_wait3A_57 = arith.constant 0 : i32
      %dma_wait3A_58 = arith.constant 0 : i32
      %dma_wait3A_59 = tpu.memref_slice %arg8[%dma_wait3A_57, %dma_wait3A_58] : memref<201x128xf32, #tpu.memory_space<vmem>> -> memref<1x128xf32, #tpu.memory_space<vmem>>
      tpu.wait_dma2 semaphore(%run_scoped3A : memref<!tpu.dma_semaphore, #tpu.memory_space<semaphore_mem>>) src(%arg4 : memref<1x128xf32, #tpu.memory_space<hbm>>) dst(%dma_wait3A_59 : memref<1x128xf32, #tpu.memory_space<vmem>>)
      tpu.yield
    }) : () -> ()
    "tpu.region"() ({
      %run_scoped3A = tpu.sem_alloc : memref<!tpu.dma_semaphore, #tpu.memory_space<semaphore_mem>>
      %dma_start3A_48 = arith.constant 0 : i32
      %dma_start3A_49 = arith.constant 0 : i32
      %dma_start3A_50 = tpu.memref_slice %arg9[%dma_start3A_48, %dma_start3A_49] : memref<201x128xf32, #tpu.memory_space<vmem>> -> memref<1x128xf32, #tpu.memory_space<vmem>>
      %dma_start3A_51 = arith.constant 0 : i32
      %dma_start3A_52 = arith.constant 0 : i32
      %dma_start3A_53 = tpu.memref_slice %arg9[%dma_start3A_51, %dma_start3A_52] : memref<201x128xf32, #tpu.memory_space<vmem>> -> memref<1x128xf32, #tpu.memory_space<vmem>>
      tpu.enqueue_dma source(%arg4 : memref<1x128xf32, #tpu.memory_space<hbm>>) target(%dma_start3A_53 : memref<1x128xf32, #tpu.memory_space<vmem>>) target_semaphore(%run_scoped3A : memref<!tpu.dma_semaphore, #tpu.memory_space<semaphore_mem>>)
      %dma_wait3A_54 = arith.constant 0 : i32
      %dma_wait3A_55 = arith.constant 0 : i32
      %dma_wait3A_56 = tpu.memref_slice %arg9[%dma_wait3A_54, %dma_wait3A_55] : memref<201x128xf32, #tpu.memory_space<vmem>> -> memref<1x128xf32, #tpu.memory_space<vmem>>
      %dma_wait3A_57 = arith.constant 0 : i32
      %dma_wait3A_58 = arith.constant 0 : i32
      %dma_wait3A_59 = tpu.memref_slice %arg9[%dma_wait3A_57, %dma_wait3A_58] : memref<201x128xf32, #tpu.memory_space<vmem>> -> memref<1x128xf32, #tpu.memory_space<vmem>>
      tpu.wait_dma2 semaphore(%run_scoped3A : memref<!tpu.dma_semaphore, #tpu.memory_space<semaphore_mem>>) src(%arg4 : memref<1x128xf32, #tpu.memory_space<hbm>>) dst(%dma_wait3A_59 : memref<1x128xf32, #tpu.memory_space<vmem>>)
      tpu.yield
    }) : () -> ()
    %barrier3A = arith.constant 0 : index
    tpu.barrier barrier_id(%barrier3A)
    %mul3A_3 = arith.constant 256 : i32
    %mul3A_4 = arith.muli %add3A, %mul3A_3 : i32
    "tpu.region"() ({
      %run_scoped3A = tpu.sem_alloc : memref<!tpu.dma_semaphore, #tpu.memory_space<semaphore_mem>>
      %dma_start3A_48 = arith.constant 0 : i32
      %dma_start3A_49 = tpu.memref_slice %arg2[%mul3A_4, %dma_start3A_48] : memref<8192x100xi32, #tpu.memory_space<hbm>> -> memref<256x100xi32, #tpu.memory_space<hbm>>
      %dma_start3A_50 = arith.constant 0 : i32
      %dma_start3A_51 = tpu.memref_slice %arg2[%mul3A_4, %dma_start3A_50] : memref<8192x100xi32, #tpu.memory_space<hbm>> -> memref<256x100xi32, #tpu.memory_space<hbm>>
      tpu.enqueue_dma source(%dma_start3A_51 : memref<256x100xi32, #tpu.memory_space<hbm>>) target(%arg7 : memref<256x100xi32, #tpu.memory_space<vmem>>) target_semaphore(%run_scoped3A : memref<!tpu.dma_semaphore, #tpu.memory_space<semaphore_mem>>)
      %dma_wait3A_52 = arith.constant 0 : i32
      %dma_wait3A_53 = tpu.memref_slice %arg2[%mul3A_4, %dma_wait3A_52] : memref<8192x100xi32, #tpu.memory_space<hbm>> -> memref<256x100xi32, #tpu.memory_space<hbm>>
      %dma_wait3A_54 = arith.constant 0 : i32
      %dma_wait3A_55 = tpu.memref_slice %arg2[%mul3A_4, %dma_wait3A_54] : memref<8192x100xi32, #tpu.memory_space<hbm>> -> memref<256x100xi32, #tpu.memory_space<hbm>>
      tpu.wait_dma2 semaphore(%run_scoped3A : memref<!tpu.dma_semaphore, #tpu.memory_space<semaphore_mem>>) src(%dma_wait3A_55 : memref<256x100xi32, #tpu.memory_space<hbm>>) dst(%arg7 : memref<256x100xi32, #tpu.memory_space<vmem>>)
      tpu.yield
    }) : () -> ()
    %dma_start3A = arith.constant 0 : i32
    %dma_start3A_5 = arith.constant 1 : i32
    %dma_start3A_6 = arith.constant 0 : i32
    %dma_start3A_7 = tpu.memref_slice %arg8[%dma_start3A_5, %dma_start3A_6] : memref<201x128xf32, #tpu.memory_space<vmem>> -> memref<100x128xf32, #tpu.memory_space<vmem>>
    %dma_start3A_8 = arith.constant 0 : i32
    %dma_start3A_9 = tpu.memref_slice %arg7[%dma_start3A, %dma_start3A_8] : memref<256x100xi32, #tpu.memory_space<vmem>> -> memref<1x100xi32, #tpu.memory_space<vmem>>
    %dma_start3A_10 = tpu.memref_squeeze %dma_start3A_9 : memref<1x100xi32, #tpu.memory_space<vmem>> -> memref<100xi32, #tpu.memory_space<vmem>>
    %dma_start3A_11 = arith.constant 0 : i32
    %dma_start3A_12 = arith.constant 0 : i32
    %dma_start3A_13 = tpu.memref_slice %arg6[%dma_start3A_11, %dma_start3A_12] : memref<101x128xf32, #tpu.memory_space<vmem_shared>> -> memref<101x128xf32, #tpu.memory_space<vmem_shared>>
    tpu.enqueue_indirect_dma source(%dma_start3A_13 : memref<101x128xf32, #tpu.memory_space<vmem_shared>>) target(%dma_start3A_7 : memref<100x128xf32, #tpu.memory_space<vmem>>) offsets(%dma_start3A_10 : memref<100xi32, #tpu.memory_space<vmem>>) semaphore(%arg10 : memref<!tpu.dma_semaphore, #tpu.memory_space<semaphore_mem>>)
    %dma_start3A_14 = arith.constant 1 : i32
    %dma_start3A_15 = arith.constant 101 : i32
    %dma_start3A_16 = arith.constant 0 : i32
    %dma_start3A_17 = tpu.memref_slice %arg8[%dma_start3A_15, %dma_start3A_16] : memref<201x128xf32, #tpu.memory_space<vmem>> -> memref<100x128xf32, #tpu.memory_space<vmem>>
    %dma_start3A_18 = arith.constant 0 : i32
    %dma_start3A_19 = tpu.memref_slice %arg7[%dma_start3A_14, %dma_start3A_18] : memref<256x100xi32, #tpu.memory_space<vmem>> -> memref<1x100xi32, #tpu.memory_space<vmem>>
    %dma_start3A_20 = tpu.memref_squeeze %dma_start3A_19 : memref<1x100xi32, #tpu.memory_space<vmem>> -> memref<100xi32, #tpu.memory_space<vmem>>
    %dma_start3A_21 = arith.constant 0 : i32
    %dma_start3A_22 = arith.constant 0 : i32
    %dma_start3A_23 = tpu.memref_slice %arg6[%dma_start3A_21, %dma_start3A_22] : memref<101x128xf32, #tpu.memory_space<vmem_shared>> -> memref<101x128xf32, #tpu.memory_space<vmem_shared>>
    tpu.enqueue_indirect_dma source(%dma_start3A_23 : memref<101x128xf32, #tpu.memory_space<vmem_shared>>) target(%dma_start3A_17 : memref<100x128xf32, #tpu.memory_space<vmem>>) offsets(%dma_start3A_20 : memref<100xi32, #tpu.memory_space<vmem>>) semaphore(%arg10 : memref<!tpu.dma_semaphore, #tpu.memory_space<semaphore_mem>>)
    %dma_wait3A = arith.constant 0 : i32
    %dma_wait3A_24 = arith.constant 1 : i32
    %dma_wait3A_25 = arith.constant 0 : i32
    %dma_wait3A_26 = tpu.memref_slice %arg8[%dma_wait3A_24, %dma_wait3A_25] : memref<201x128xf32, #tpu.memory_space<vmem>> -> memref<100x128xf32, #tpu.memory_space<vmem>>
    %dma_wait3A_27 = arith.constant 0 : i32
    %dma_wait3A_28 = tpu.memref_slice %arg7[%dma_wait3A, %dma_wait3A_27] : memref<256x100xi32, #tpu.memory_space<vmem>> -> memref<1x100xi32, #tpu.memory_space<vmem>>
    %dma_wait3A_29 = tpu.memref_squeeze %dma_wait3A_28 : memref<1x100xi32, #tpu.memory_space<vmem>> -> memref<100xi32, #tpu.memory_space<vmem>>
    %dma_wait3A_30 = arith.constant 0 : i32
    %dma_wait3A_31 = arith.constant 0 : i32
    %dma_wait3A_32 = tpu.memref_slice %arg6[%dma_wait3A_30, %dma_wait3A_31] : memref<101x128xf32, #tpu.memory_space<vmem_shared>> -> memref<101x128xf32, #tpu.memory_space<vmem_shared>>
    tpu.wait_indirect_dma semaphore(%arg10 : memref<!tpu.dma_semaphore, #tpu.memory_space<semaphore_mem>>) src(%dma_wait3A_32 : memref<101x128xf32, #tpu.memory_space<vmem_shared>>) dst(%dma_wait3A_26 : memref<100x128xf32, #tpu.memory_space<vmem>>)
    %dma_wait3A_33 = arith.constant 1 : i32
    %dma_wait3A_34 = arith.constant 101 : i32
    %dma_wait3A_35 = arith.constant 0 : i32
    %dma_wait3A_36 = tpu.memref_slice %arg8[%dma_wait3A_34, %dma_wait3A_35] : memref<201x128xf32, #tpu.memory_space<vmem>> -> memref<100x128xf32, #tpu.memory_space<vmem>>
    %dma_wait3A_37 = arith.constant 0 : i32
    %dma_wait3A_38 = tpu.memref_slice %arg7[%dma_wait3A_33, %dma_wait3A_37] : memref<256x100xi32, #tpu.memory_space<vmem>> -> memref<1x100xi32, #tpu.memory_space<vmem>>
    %dma_wait3A_39 = tpu.memref_squeeze %dma_wait3A_38 : memref<1x100xi32, #tpu.memory_space<vmem>> -> memref<100xi32, #tpu.memory_space<vmem>>
    %dma_wait3A_40 = arith.constant 0 : i32
    %dma_wait3A_41 = arith.constant 0 : i32
    %dma_wait3A_42 = tpu.memref_slice %arg6[%dma_wait3A_40, %dma_wait3A_41] : memref<101x128xf32, #tpu.memory_space<vmem_shared>> -> memref<101x128xf32, #tpu.memory_space<vmem_shared>>
    tpu.wait_indirect_dma semaphore(%arg10 : memref<!tpu.dma_semaphore, #tpu.memory_space<semaphore_mem>>) src(%dma_wait3A_42 : memref<101x128xf32, #tpu.memory_space<vmem_shared>>) dst(%dma_wait3A_36 : memref<100x128xf32, #tpu.memory_space<vmem>>)
    %scan3A = arith.constant 0 : i32
    %scan3A_43 = arith.constant 0 : i32
    %scan3A_44 = arith.constant 64 : i32
    %scan3A_45 = arith.addi %scan3A_43, %scan3A_44 : i32
    %scan3A_46 = arith.constant 1 : i32
    scf.for %scan3A_48 = %scan3A_43 to %scan3A_45 step %scan3A_46  : i32 {
      %mul3A_49 = arith.constant 2 : i32
      %mul3A_50 = arith.muli %mul3A_49, %scan3A_48 : i32
      %mul3A_51 = arith.constant 128 : i32
      %mul3A_52 = arith.muli %add3A, %mul3A_51 : i32
      %add3A_53 = arith.addi %mul3A_52, %mul3A_50 : i32
      %dma_start3A_54 = arith.constant 0 : i32
      %dma_start3A_55 = arith.constant 0 : i32
      %dma_start3A_56 = tpu.memref_slice %arg5[%add3A_53, %dma_start3A_54, %dma_start3A_55] : memref<4096x201x128xf32, #tpu.memory_space<hbm>> -> memref<1x201x128xf32, #tpu.memory_space<hbm>>
      %dma_start3A_57 = tpu.memref_squeeze %dma_start3A_56 : memref<1x201x128xf32, #tpu.memory_space<hbm>> -> memref<201x128xf32, #tpu.memory_space<hbm>>
      %dma_start3A_58 = arith.constant 0 : i32
      %dma_start3A_59 = arith.constant 0 : i32
      %dma_start3A_60 = tpu.memref_slice %arg5[%add3A_53, %dma_start3A_58, %dma_start3A_59] : memref<4096x201x128xf32, #tpu.memory_space<hbm>> -> memref<1x201x128xf32, #tpu.memory_space<hbm>>
      %dma_start3A_61 = tpu.memref_squeeze %dma_start3A_60 : memref<1x201x128xf32, #tpu.memory_space<hbm>> -> memref<201x128xf32, #tpu.memory_space<hbm>>
      tpu.enqueue_dma source(%arg8 : memref<201x128xf32, #tpu.memory_space<vmem>>) target(%dma_start3A_61 : memref<201x128xf32, #tpu.memory_space<hbm>>) target_semaphore(%arg11 : memref<!tpu.dma_semaphore, #tpu.memory_space<semaphore_mem>>)
      %mul3A_62 = arith.constant 2 : i32
      %mul3A_63 = arith.muli %mul3A_62, %scan3A_48 : i32
      %add3A_64 = arith.constant 1 : i32
      %add3A_65 = arith.addi %mul3A_63, %add3A_64 : i32
      %mul3A_66 = arith.constant 2 : i32
      %mul3A_67 = arith.muli %add3A_65, %mul3A_66 : i32
      %add3A_68 = arith.constant 0 : i32
      %add3A_69 = arith.addi %mul3A_67, %add3A_68 : i32
      %dma_start3A_70 = arith.constant 1 : i32
      %dma_start3A_71 = arith.constant 0 : i32
      %dma_start3A_72 = tpu.memref_slice %arg9[%dma_start3A_70, %dma_start3A_71] : memref<201x128xf32, #tpu.memory_space<vmem>> -> memref<100x128xf32, #tpu.memory_space<vmem>>
      %dma_start3A_73 = arith.constant 0 : i32
      %dma_start3A_74 = tpu.memref_slice %arg7[%add3A_69, %dma_start3A_73] : memref<256x100xi32, #tpu.memory_space<vmem>> -> memref<1x100xi32, #tpu.memory_space<vmem>>
      %dma_start3A_75 = tpu.memref_squeeze %dma_start3A_74 : memref<1x100xi32, #tpu.memory_space<vmem>> -> memref<100xi32, #tpu.memory_space<vmem>>
      %dma_start3A_76 = arith.constant 0 : i32
      %dma_start3A_77 = arith.constant 0 : i32
      %dma_start3A_78 = tpu.memref_slice %arg6[%dma_start3A_76, %dma_start3A_77] : memref<101x128xf32, #tpu.memory_space<vmem_shared>> -> memref<101x128xf32, #tpu.memory_space<vmem_shared>>
      tpu.enqueue_indirect_dma source(%dma_start3A_78 : memref<101x128xf32, #tpu.memory_space<vmem_shared>>) target(%dma_start3A_72 : memref<100x128xf32, #tpu.memory_space<vmem>>) offsets(%dma_start3A_75 : memref<100xi32, #tpu.memory_space<vmem>>) semaphore(%arg10 : memref<!tpu.dma_semaphore, #tpu.memory_space<semaphore_mem>>)
      %mul3A_79 = arith.constant 2 : i32
      %mul3A_80 = arith.muli %add3A_65, %mul3A_79 : i32
      %add3A_81 = arith.constant 1 : i32
      %add3A_82 = arith.addi %mul3A_80, %add3A_81 : i32
      %dma_start3A_83 = arith.constant 101 : i32
      %dma_start3A_84 = arith.constant 0 : i32
      %dma_start3A_85 = tpu.memref_slice %arg9[%dma_start3A_83, %dma_start3A_84] : memref<201x128xf32, #tpu.memory_space<vmem>> -> memref<100x128xf32, #tpu.memory_space<vmem>>
      %dma_start3A_86 = arith.constant 0 : i32
      %dma_start3A_87 = tpu.memref_slice %arg7[%add3A_82, %dma_start3A_86] : memref<256x100xi32, #tpu.memory_space<vmem>> -> memref<1x100xi32, #tpu.memory_space<vmem>>
      %dma_start3A_88 = tpu.memref_squeeze %dma_start3A_87 : memref<1x100xi32, #tpu.memory_space<vmem>> -> memref<100xi32, #tpu.memory_space<vmem>>
      %dma_start3A_89 = arith.constant 0 : i32
      %dma_start3A_90 = arith.constant 0 : i32
      %dma_start3A_91 = tpu.memref_slice %arg6[%dma_start3A_89, %dma_start3A_90] : memref<101x128xf32, #tpu.memory_space<vmem_shared>> -> memref<101x128xf32, #tpu.memory_space<vmem_shared>>
      tpu.enqueue_indirect_dma source(%dma_start3A_91 : memref<101x128xf32, #tpu.memory_space<vmem_shared>>) target(%dma_start3A_85 : memref<100x128xf32, #tpu.memory_space<vmem>>) offsets(%dma_start3A_88 : memref<100xi32, #tpu.memory_space<vmem>>) semaphore(%arg10 : memref<!tpu.dma_semaphore, #tpu.memory_space<semaphore_mem>>)
      %dma_wait3A_92 = arith.constant 1 : i32
      %dma_wait3A_93 = arith.constant 0 : i32
      %dma_wait3A_94 = tpu.memref_slice %arg9[%dma_wait3A_92, %dma_wait3A_93] : memref<201x128xf32, #tpu.memory_space<vmem>> -> memref<100x128xf32, #tpu.memory_space<vmem>>
      %dma_wait3A_95 = arith.constant 0 : i32
      %dma_wait3A_96 = tpu.memref_slice %arg7[%add3A_69, %dma_wait3A_95] : memref<256x100xi32, #tpu.memory_space<vmem>> -> memref<1x100xi32, #tpu.memory_space<vmem>>
      %dma_wait3A_97 = tpu.memref_squeeze %dma_wait3A_96 : memref<1x100xi32, #tpu.memory_space<vmem>> -> memref<100xi32, #tpu.memory_space<vmem>>
      %dma_wait3A_98 = arith.constant 0 : i32
      %dma_wait3A_99 = arith.constant 0 : i32
      %dma_wait3A_100 = tpu.memref_slice %arg6[%dma_wait3A_98, %dma_wait3A_99] : memref<101x128xf32, #tpu.memory_space<vmem_shared>> -> memref<101x128xf32, #tpu.memory_space<vmem_shared>>
      tpu.wait_indirect_dma semaphore(%arg10 : memref<!tpu.dma_semaphore, #tpu.memory_space<semaphore_mem>>) src(%dma_wait3A_100 : memref<101x128xf32, #tpu.memory_space<vmem_shared>>) dst(%dma_wait3A_94 : memref<100x128xf32, #tpu.memory_space<vmem>>)
      %dma_wait3A_101 = arith.constant 101 : i32
      %dma_wait3A_102 = arith.constant 0 : i32
      %dma_wait3A_103 = tpu.memref_slice %arg9[%dma_wait3A_101, %dma_wait3A_102] : memref<201x128xf32, #tpu.memory_space<vmem>> -> memref<100x128xf32, #tpu.memory_space<vmem>>
      %dma_wait3A_104 = arith.constant 0 : i32
      %dma_wait3A_105 = tpu.memref_slice %arg7[%add3A_82, %dma_wait3A_104] : memref<256x100xi32, #tpu.memory_space<vmem>> -> memref<1x100xi32, #tpu.memory_space<vmem>>
      %dma_wait3A_106 = tpu.memref_squeeze %dma_wait3A_105 : memref<1x100xi32, #tpu.memory_space<vmem>> -> memref<100xi32, #tpu.memory_space<vmem>>
      %dma_wait3A_107 = arith.constant 0 : i32
      %dma_wait3A_108 = arith.constant 0 : i32
      %dma_wait3A_109 = tpu.memref_slice %arg6[%dma_wait3A_107, %dma_wait3A_108] : memref<101x128xf32, #tpu.memory_space<vmem_shared>> -> memref<101x128xf32, #tpu.memory_space<vmem_shared>>
      tpu.wait_indirect_dma semaphore(%arg10 : memref<!tpu.dma_semaphore, #tpu.memory_space<semaphore_mem>>) src(%dma_wait3A_109 : memref<101x128xf32, #tpu.memory_space<vmem_shared>>) dst(%dma_wait3A_103 : memref<100x128xf32, #tpu.memory_space<vmem>>)
      %mul3A_110 = arith.constant 2 : i32
      %mul3A_111 = arith.muli %mul3A_110, %scan3A_48 : i32
      %add3A_112 = arith.constant 1 : i32
      %add3A_113 = arith.addi %mul3A_111, %add3A_112 : i32
      %mul3A_114 = arith.constant 128 : i32
      %mul3A_115 = arith.muli %add3A, %mul3A_114 : i32
      %add3A_116 = arith.addi %mul3A_115, %add3A_113 : i32
      %dma_start3A_117 = arith.constant 0 : i32
      %dma_start3A_118 = arith.constant 0 : i32
      %dma_start3A_119 = tpu.memref_slice %arg5[%add3A_116, %dma_start3A_117, %dma_start3A_118] : memref<4096x201x128xf32, #tpu.memory_space<hbm>> -> memref<1x201x128xf32, #tpu.memory_space<hbm>>
      %dma_start3A_120 = tpu.memref_squeeze %dma_start3A_119 : memref<1x201x128xf32, #tpu.memory_space<hbm>> -> memref<201x128xf32, #tpu.memory_space<hbm>>
      %dma_start3A_121 = arith.constant 0 : i32
      %dma_start3A_122 = arith.constant 0 : i32
      %dma_start3A_123 = tpu.memref_slice %arg5[%add3A_116, %dma_start3A_121, %dma_start3A_122] : memref<4096x201x128xf32, #tpu.memory_space<hbm>> -> memref<1x201x128xf32, #tpu.memory_space<hbm>>
      %dma_start3A_124 = tpu.memref_squeeze %dma_start3A_123 : memref<1x201x128xf32, #tpu.memory_space<hbm>> -> memref<201x128xf32, #tpu.memory_space<hbm>>
      tpu.enqueue_dma source(%arg9 : memref<201x128xf32, #tpu.memory_space<vmem>>) target(%dma_start3A_124 : memref<201x128xf32, #tpu.memory_space<hbm>>) target_semaphore(%arg12 : memref<!tpu.dma_semaphore, #tpu.memory_space<semaphore_mem>>)
      %dma_wait3A_125 = arith.constant 0 : i32
      %dma_wait3A_126 = arith.constant 0 : i32
      %dma_wait3A_127 = tpu.memref_slice %arg5[%add3A_53, %dma_wait3A_125, %dma_wait3A_126] : memref<4096x201x128xf32, #tpu.memory_space<hbm>> -> memref<1x201x128xf32, #tpu.memory_space<hbm>>
      %dma_wait3A_128 = tpu.memref_squeeze %dma_wait3A_127 : memref<1x201x128xf32, #tpu.memory_space<hbm>> -> memref<201x128xf32, #tpu.memory_space<hbm>>
      %dma_wait3A_129 = arith.constant 0 : i32
      %dma_wait3A_130 = arith.constant 0 : i32
      %dma_wait3A_131 = tpu.memref_slice %arg5[%add3A_53, %dma_wait3A_129, %dma_wait3A_130] : memref<4096x201x128xf32, #tpu.memory_space<hbm>> -> memref<1x201x128xf32, #tpu.memory_space<hbm>>
      %dma_wait3A_132 = tpu.memref_squeeze %dma_wait3A_131 : memref<1x201x128xf32, #tpu.memory_space<hbm>> -> memref<201x128xf32, #tpu.memory_space<hbm>>
      tpu.wait_dma2 semaphore(%arg11 : memref<!tpu.dma_semaphore, #tpu.memory_space<semaphore_mem>>) src(%arg8 : memref<201x128xf32, #tpu.memory_space<vmem>>) dst(%dma_wait3A_132 : memref<201x128xf32, #tpu.memory_space<hbm>>)
      %add3A_133 = arith.constant 1 : i32
      %add3A_134 = arith.addi %scan3A_48, %add3A_133 : i32
      %lt3A = arith.constant 64 : i32
      %lt3A_135 = arith.cmpi slt, %add3A_134, %lt3A : i32
      %convert_element_type3A_136 = arith.extui %lt3A_135 : i1 to i32
      %cond3A_137 = arith.constant 0 : i32
      %cond3A_138 = arith.cmpi ne, %convert_element_type3A_136, %cond3A_137 : i32
      scf.if %cond3A_138 {
        %mul3A_147 = arith.constant 2 : i32
        %mul3A_148 = arith.muli %mul3A_147, %scan3A_48 : i32
        %add3A_149 = arith.constant 2 : i32
        %add3A_150 = arith.addi %mul3A_148, %add3A_149 : i32
        %mul3A_151 = arith.constant 2 : i32
        %mul3A_152 = arith.muli %add3A_150, %mul3A_151 : i32
        %add3A_153 = arith.constant 0 : i32
        %add3A_154 = arith.addi %mul3A_152, %add3A_153 : i32
        %dma_start3A_155 = arith.constant 1 : i32
        %dma_start3A_156 = arith.constant 0 : i32
        %dma_start3A_157 = tpu.memref_slice %arg8[%dma_start3A_155, %dma_start3A_156] : memref<201x128xf32, #tpu.memory_space<vmem>> -> memref<100x128xf32, #tpu.memory_space<vmem>>
        %dma_start3A_158 = arith.constant 0 : i32
        %dma_start3A_159 = tpu.memref_slice %arg7[%add3A_154, %dma_start3A_158] : memref<256x100xi32, #tpu.memory_space<vmem>> -> memref<1x100xi32, #tpu.memory_space<vmem>>
        %dma_start3A_160 = tpu.memref_squeeze %dma_start3A_159 : memref<1x100xi32, #tpu.memory_space<vmem>> -> memref<100xi32, #tpu.memory_space<vmem>>
        %dma_start3A_161 = arith.constant 0 : i32
        %dma_start3A_162 = arith.constant 0 : i32
        %dma_start3A_163 = tpu.memref_slice %arg6[%dma_start3A_161, %dma_start3A_162] : memref<101x128xf32, #tpu.memory_space<vmem_shared>> -> memref<101x128xf32, #tpu.memory_space<vmem_shared>>
        tpu.enqueue_indirect_dma source(%dma_start3A_163 : memref<101x128xf32, #tpu.memory_space<vmem_shared>>) target(%dma_start3A_157 : memref<100x128xf32, #tpu.memory_space<vmem>>) offsets(%dma_start3A_160 : memref<100xi32, #tpu.memory_space<vmem>>) semaphore(%arg10 : memref<!tpu.dma_semaphore, #tpu.memory_space<semaphore_mem>>)
        %mul3A_164 = arith.constant 2 : i32
        %mul3A_165 = arith.muli %add3A_150, %mul3A_164 : i32
        %add3A_166 = arith.constant 1 : i32
        %add3A_167 = arith.addi %mul3A_165, %add3A_166 : i32
        %dma_start3A_168 = arith.constant 101 : i32
        %dma_start3A_169 = arith.constant 0 : i32
        %dma_start3A_170 = tpu.memref_slice %arg8[%dma_start3A_168, %dma_start3A_169] : memref<201x128xf32, #tpu.memory_space<vmem>> -> memref<100x128xf32, #tpu.memory_space<vmem>>
        %dma_start3A_171 = arith.constant 0 : i32
        %dma_start3A_172 = tpu.memref_slice %arg7[%add3A_167, %dma_start3A_171] : memref<256x100xi32, #tpu.memory_space<vmem>> -> memref<1x100xi32, #tpu.memory_space<vmem>>
        %dma_start3A_173 = tpu.memref_squeeze %dma_start3A_172 : memref<1x100xi32, #tpu.memory_space<vmem>> -> memref<100xi32, #tpu.memory_space<vmem>>
        %dma_start3A_174 = arith.constant 0 : i32
        %dma_start3A_175 = arith.constant 0 : i32
        %dma_start3A_176 = tpu.memref_slice %arg6[%dma_start3A_174, %dma_start3A_175] : memref<101x128xf32, #tpu.memory_space<vmem_shared>> -> memref<101x128xf32, #tpu.memory_space<vmem_shared>>
        tpu.enqueue_indirect_dma source(%dma_start3A_176 : memref<101x128xf32, #tpu.memory_space<vmem_shared>>) target(%dma_start3A_170 : memref<100x128xf32, #tpu.memory_space<vmem>>) offsets(%dma_start3A_173 : memref<100xi32, #tpu.memory_space<vmem>>) semaphore(%arg10 : memref<!tpu.dma_semaphore, #tpu.memory_space<semaphore_mem>>)
        %dma_wait3A_177 = arith.constant 1 : i32
        %dma_wait3A_178 = arith.constant 0 : i32
        %dma_wait3A_179 = tpu.memref_slice %arg8[%dma_wait3A_177, %dma_wait3A_178] : memref<201x128xf32, #tpu.memory_space<vmem>> -> memref<100x128xf32, #tpu.memory_space<vmem>>
        %dma_wait3A_180 = arith.constant 0 : i32
        %dma_wait3A_181 = tpu.memref_slice %arg7[%add3A_154, %dma_wait3A_180] : memref<256x100xi32, #tpu.memory_space<vmem>> -> memref<1x100xi32, #tpu.memory_space<vmem>>
        %dma_wait3A_182 = tpu.memref_squeeze %dma_wait3A_181 : memref<1x100xi32, #tpu.memory_space<vmem>> -> memref<100xi32, #tpu.memory_space<vmem>>
        %dma_wait3A_183 = arith.constant 0 : i32
        %dma_wait3A_184 = arith.constant 0 : i32
        %dma_wait3A_185 = tpu.memref_slice %arg6[%dma_wait3A_183, %dma_wait3A_184] : memref<101x128xf32, #tpu.memory_space<vmem_shared>> -> memref<101x128xf32, #tpu.memory_space<vmem_shared>>
        tpu.wait_indirect_dma semaphore(%arg10 : memref<!tpu.dma_semaphore, #tpu.memory_space<semaphore_mem>>) src(%dma_wait3A_185 : memref<101x128xf32, #tpu.memory_space<vmem_shared>>) dst(%dma_wait3A_179 : memref<100x128xf32, #tpu.memory_space<vmem>>)
        %dma_wait3A_186 = arith.constant 101 : i32
        %dma_wait3A_187 = arith.constant 0 : i32
        %dma_wait3A_188 = tpu.memref_slice %arg8[%dma_wait3A_186, %dma_wait3A_187] : memref<201x128xf32, #tpu.memory_space<vmem>> -> memref<100x128xf32, #tpu.memory_space<vmem>>
        %dma_wait3A_189 = arith.constant 0 : i32
        %dma_wait3A_190 = tpu.memref_slice %arg7[%add3A_167, %dma_wait3A_189] : memref<256x100xi32, #tpu.memory_space<vmem>> -> memref<1x100xi32, #tpu.memory_space<vmem>>
        %dma_wait3A_191 = tpu.memref_squeeze %dma_wait3A_190 : memref<1x100xi32, #tpu.memory_space<vmem>> -> memref<100xi32, #tpu.memory_space<vmem>>
        %dma_wait3A_192 = arith.constant 0 : i32
        %dma_wait3A_193 = arith.constant 0 : i32
        %dma_wait3A_194 = tpu.memref_slice %arg6[%dma_wait3A_192, %dma_wait3A_193] : memref<101x128xf32, #tpu.memory_space<vmem_shared>> -> memref<101x128xf32, #tpu.memory_space<vmem_shared>>
        tpu.wait_indirect_dma semaphore(%arg10 : memref<!tpu.dma_semaphore, #tpu.memory_space<semaphore_mem>>) src(%dma_wait3A_194 : memref<101x128xf32, #tpu.memory_space<vmem_shared>>) dst(%dma_wait3A_188 : memref<100x128xf32, #tpu.memory_space<vmem>>)
      } else {
      }
      %dma_wait3A_139 = arith.constant 0 : i32
      %dma_wait3A_140 = arith.constant 0 : i32
      %dma_wait3A_141 = tpu.memref_slice %arg5[%add3A_116, %dma_wait3A_139, %dma_wait3A_140] : memref<4096x201x128xf32, #tpu.memory_space<hbm>> -> memref<1x201x128xf32, #tpu.memory_space<hbm>>
      %dma_wait3A_142 = tpu.memref_squeeze %dma_wait3A_141 : memref<1x201x128xf32, #tpu.memory_space<hbm>> -> memref<201x128xf32, #tpu.memory_space<hbm>>
      %dma_wait3A_143 = arith.constant 0 : i32
      %dma_wait3A_144 = arith.constant 0 : i32
      %dma_wait3A_145 = tpu.memref_slice %arg5[%add3A_116, %dma_wait3A_143, %dma_wait3A_144] : memref<4096x201x128xf32, #tpu.memory_space<hbm>> -> memref<1x201x128xf32, #tpu.memory_space<hbm>>
      %dma_wait3A_146 = tpu.memref_squeeze %dma_wait3A_145 : memref<1x201x128xf32, #tpu.memory_space<hbm>> -> memref<201x128xf32, #tpu.memory_space<hbm>>
      tpu.wait_dma2 semaphore(%arg12 : memref<!tpu.dma_semaphore, #tpu.memory_space<semaphore_mem>>) src(%arg9 : memref<201x128xf32, #tpu.memory_space<vmem>>) dst(%dma_wait3A_146 : memref<201x128xf32, #tpu.memory_space<hbm>>)
    }
    %scan3A_47 = arith.constant 64 : i32
    return
  }
}

</mosaic_0001>

<sc_bundles>
// kernel: kernel.3.cloned.1.call-start
scs
__scs_entry_jumppad:
0x0: {  	(pc) =	sbr.rel $0x88, $3  }
0x1: {  	(tag) =	ssettag $0x0;
	lr =	simm.s32 $0x1  }
0x2: {  	[smem:$0x3F9E] =	sst lr;
	_ =	strace $0xD0000000  }
0x3: {  	_ = 	snop  }
0x4: {  	_ = 	snop  }
0x5: {  	_ = 	snop  }
0x6: {  	_ = 	snop  }
0x7: {  	_ = 	snop  }
__scs_overlays_trampoline_lowered:
0x8: {  	[smem:$0x3FAD] =	sst s0  }
0x9: {  	[smem:$0x3FAE] =	sst s1  }
0xa: {  	[smem:$0x3FAF] =	sst s2  }
0xb: {  	[smem:$0x3FB0] =	sst s3  }
0xc: {  	[smem:$0x3FB1] =	sst s4  }
0xd: {  	[smem:$0x3FB2] =	sst s5  }
0xe: {  	[smem:$0x3FB3] =	sst s6  }
0xf: {  	[smem:$0x3FB4] =	sst s7  }
0x10: {  	[smem:$0x3FB5] =	sst s8  }
0x11: {  	[smem:$0x3FB6] =	sst s9;
	s0 =	simm.s32 @!p0 $0x0  }
0x12: {  	s1 =	sld [smem:$0x3F9C];
	s0 =	simm.s32 @p0 $0x1  }
0x13: {  	[smem:$0x3FB7] =	sst s0;
	s0 =	simm.s32 @!p1 $0x0  }
0x14: {  	s2 =	sld [smem:$0x3F9B];
	s0 =	simm.s32 @p1 $0x1  }
0x15: {  	[smem:$0x3FB8] =	sst s0;
	s0 =	simm.s32 @!p2 $0x0  }
0x16: {  	s3 =	sld [smem:$0x3FDB];
	s0 =	simm.s32 @p2 $0x1  }
0x17: {  	s4 =	simm.s32 $0x1BF5;
	[smem:$0x3FBA] =	sst s0  }
0x18: {  	s0 =	sld [smem:$0x3F9D];
	_ =	swait.ge [sflag:s4], $0x0  }
0x19: {  	s7 =	sld [smem:$0x3F9E]  }
0x1a: {  	s8 =	sadd.s32 $0xFFFFE003, lr  }
0x1b: {  	s9 =	sadd.s32 $0xFFFFFEF7, lr;
	s5 =	simm.s32 $0xFFFFFFFF;
	p2 =	slt.u32 s8, $0xFFFFF086  }
0x1c: {  	p1 =	slt.u32 s9, $0xF7A;
	s5 =	simm.s32 @!p2 $0x0  }
0x1d: {  	s5 =	simm.s32 @p1 $0x1;
	p0 =	seq.s32 s7, s2  }
0x1e: {  	s7 =	smul.u32 @!p0 $0xF7A, s2;
	p2 =	seq.s32 @!p0 s5, $0x0  }
0x1f: {  	s9 =	smul.u32 $0xF7A, s1;
	s8 =	simm.s32 @!p0 $0x1BF5;
	p2 =	por !p2, p0  }
0x20: {  	[sflag:s8] =	ssyncset.s32 @!p0 $0xFFFFF086;
	s6 =	sadd.s32 @!p0 s3, s7;
	s7 =	simm.s32 @!p0 $0x108  }
0x21: {  	s3 =	sadd.s32 s3, s9;
	s6 =	sadd.s32 @!p0 $0x88, s6;
	s7 =	simm.s32 @p2 $0x1082  }
0x22: {  	[simem:s7], [sflag:s8] =	dma.local @!p0 [hbm:s6], $0xF7A  }
0x23: {  	s9 =	sor.u32 $0xD0000000, s2;
	s6 =	simm.s32 $0x108;
	_ =	swait.ge @!p0 [sflag:s8], $0x0  }
0x24: {  	s3 =	sadd.s32 $0x88, s3;
	s6 =	simm.s32 @!p1 $0x1082;
	[sflag:s4] =	ssyncset.s32 $0xFFFFF086  }
0x25: {  	[simem:s6], [sflag:s4] =	dma.local [hbm:s3], $0xF7A  }
0x26: {  	[smem:$0x3F9E] =	sst s1;
	(tag) =	ssettag s2;
	_ =	strace s9  }
0x27: {  	s1 =	sld [smem:$0x3FAE]  }
0x28: {  	s2 =	sld [smem:$0x3FAF]  }
0x29: {  	s4 =	sld [smem:$0x3FB1]  }
0x2a: {  	p0 =	seq.s32 s5, $0x0;
	s5 =	sld [smem:$0x3FB2]  }
0x2b: {  	s6 =	sld [smem:$0x3FB3]  }
0x2c: {  	s7 =	sld [smem:$0x3FB4]  }
0x2d: {  	s3 =	simm.s32 $0x108;
	s8 =	sld [smem:$0x3FB5]  }
0x2e: {  	s3 =	simm.s32 @!p0 $0x1082;
	s9 =	sld [smem:$0x3FB6]  }
0x2f: {  	lr =	sadd.s32 s0, s3;
	s0 =	sld [smem:$0x3FAD]  }
0x30: {  	s3 =	sld [smem:$0x3FB0]  }
0x31: {  	[smem:$0x3FB9] =	sst s10  }
0x32: {  	s10 =	sld [smem:$0x3FB7];
	_ =	sdelay $0x3  }
0x33: {  	p0 =	seq.s32 s10, $0x1;
	s10 =	sld [smem:$0x3FB9];
	_ =	sdelay $0x3  }
0x34: {  	[smem:$0x3FB9] =	sst s10  }
0x35: {  	s10 =	sld [smem:$0x3FB8];
	_ =	sdelay $0x3  }
0x36: {  	p1 =	seq.s32 s10, $0x1;
	s10 =	sld [smem:$0x3FB9];
	_ =	sdelay $0x3  }
0x37: {  	[smem:$0x3FB9] =	sst s10  }
0x38: {  	s10 =	sld [smem:$0x3FBA]  }
0x39: {  	_ = 	snop;
	(pc) =	sbr.ind lr, $3  }
0x3a: {  	_ = 	snop  }
0x3b: {  	_ = 	snop  }
0x3c: {  	p2 =	seq.s32 s10, $0x1;
	s10 =	sld [smem:$0x3FB9]  }
0x3d: {  	_ =	shalt  }
0x3e: {  	_ =	shalt  }
0x3f: {  	_ =	shalt  }
0x40: {  	_ =	shalt  }
0x41: {  	_ =	shalt  }
0x42: {  	_ =	shalt  }
0x43: {  	_ =	shalt  }
0x44: {  	_ =	shalt  }
0x45: {  	_ =	shalt  }
0x46: {  	_ =	shalt  }
0x47: {  	_ =	shalt  }
0x48: {  	_ =	shalt  }
0x49: {  	_ =	shalt  }
0x4a: {  	_ =	shalt  }
0x4b: {  	_ =	shalt  }
0x4c: {  	_ =	shalt  }
0x4d: {  	_ =	shalt  }
0x4e: {  	_ =	shalt  }
0x4f: {  	_ =	shalt  }
0x50: {  	_ =	shalt  }
0x51: {  	_ =	shalt  }
0x52: {  	_ =	shalt  }
0x53: {  	_ =	shalt  }
0x54: {  	_ =	shalt  }
0x55: {  	_ =	shalt  }
0x56: {  	_ =	shalt  }
0x57: {  	_ =	shalt  }
0x58: {  	_ =	shalt  }
0x59: {  	_ =	shalt  }
0x5a: {  	_ =	shalt  }
0x5b: {  	_ =	shalt  }
0x5c: {  	_ =	shalt  }
0x5d: {  	_ =	shalt  }
0x5e: {  	_ =	shalt  }
0x5f: {  	_ =	shalt  }
0x60: {  	_ =	shalt  }
0x61: {  	_ =	shalt  }
0x62: {  	_ =	shalt  }
0x63: {  	_ =	shalt  }
0x64: {  	_ =	shalt  }
0x65: {  	_ =	shalt  }
0x66: {  	_ =	shalt  }
0x67: {  	_ =	shalt  }
0x68: {  	_ =	shalt  }
0x69: {  	_ =	shalt  }
0x6a: {  	_ =	shalt  }
0x6b: {  	_ =	shalt  }
0x6c: {  	_ =	shalt  }
0x6d: {  	_ =	shalt  }
0x6e: {  	_ =	shalt  }
0x6f: {  	_ =	shalt  }
0x70: {  	_ =	shalt  }
0x71: {  	_ =	shalt  }
0x72: {  	_ =	shalt  }
0x73: {  	_ =	shalt  }
0x74: {  	_ =	shalt  }
0x75: {  	_ =	shalt  }
0x76: {  	_ =	shalt  }
0x77: {  	_ =	shalt  }
0x78: {  	_ =	shalt  }
0x79: {  	_ =	shalt  }
0x7a: {  	_ =	shalt  }
0x7b: {  	_ =	shalt  }
0x7c: {  	_ =	shalt  }
0x7d: {  	_ =	shalt  }
0x7e: {  	_ =	shalt  }
0x7f: {  	_ =	shalt  }
0x80: {  	_ =	shalt  }
0x81: {  	_ =	shalt  }
0x82: {  	_ =	shalt  }
0x83: {  	_ =	shalt  }
0x84: {  	_ =	shalt  }
0x85: {  	_ =	shalt  }
0x86: {  	_ =	shalt  }
0x87: {  	_ =	shalt  }
.Lfunc_end0:
.L_simem_size_0:
called_computation_lowered:
.L_overlay_start_0:
0x88: {  	s2 =	sld [smem:$0x3FD9]  }
0x89: {  	s3 =	sld [smem:$0x3FFE];
	_ =	sdelay $0x1  }
0x8a: {  	s1 =	srdreg.scid  }
0x8b: {  	s0 =	sand.u32 $0x1, s1  }
0x8c: {  	s17 =	sshll.u32 s0, $0xA;
	s2 =	sadd.s32 s3, s2  }
0x8d: {  	s2 =	sadd.s32 s2, s17  }
0x8e: {  	[smem:$0x3FC5] =	sst s2  }
0x8f: {  	_ = 	snop  }
0x90: {  	s2 =	sld [smem:$0x3FC8]  }
0x91: {  	s18 =	sld [smem:$0x3FC7]  }
0x92: {  	s4 =	sld [smem:$0x3FD0];
	(tm) =	ssettm $0x1  }
0x93: {  	s5 =	sld [smem:$0x3FFB];
	_ =	sdelay $0x3  }
0x94: {  	_ =	strace s5  }
0x95: {  	s5 =	sld [smem:$0x3FFC];
	_ =	sdelay $0x3  }
0x96: {  	_ =	strace s5  }
0x97: {  	s5 =	sld [smem:$0x3FFD];
	_ =	sdelay $0x3  }
0x98: {  	_ =	strace s5  }
0x99: {  	_ =	strace $0x8FFFFFFF  }
0x9a: {  	s19 =	sld [smem:$0x3FDB];
	_ =	sdelay $0x1  }
0x9b: {  	s6 =	simm.s32 $_scs_section_size  }
0x9c: {  	s7 =	simm.s32 $_size__tile_overlayer_lowered;
	s8 =	simm.s32 $_tile_overlayer_lowered  }
0x9d: {  	s22 =	simm.s32 $0x1BFF;
	s21 =	sshll.u32 s8, $0x1;
	s5 =	sadd.s32 s6, s19  }
0x9e: {  	s9 =	simm.s32 $0x0;
	s20 =	sshll.u32 s7, $0x1;
	s7 =	sadd.s32 s21, s5  }
0x9f: {  	[timem:s9], [sflag:s22] =	dma.local [hbm:s7], s20  }
0xa0: {  	_ =	swait.ge [sflag:s22], s20  }
0xa1: {  	s6 =	ssub.s32 $0x0, s20;
	[sflag:s22] =	ssyncset.done $0x0  }
0xa2: {  	[sflag:s22] =	ssyncadd.s32 s6;
	_ =	sdelay $0x1  }
0xa3: {  	s23 =	simm.s32 $0x1B8B  }
0xa4: {  	_ =	swait.ge [sflag:s23], $0x1  }
0xa5: {  	[sflag:s23] =	ssyncset.done $0x0  }
0xa6: {  	s25 =	simm.s32 $0x1B8E;
	s24 =	sld [smem:$0x3FFE];
	[sflag:s23] =	ssyncadd.s32 $0xFFFFFFFF  }
0xa7: {  	s26 =	simm.s32 $execute0_lowered;
	[smem:$0x3FD2] =	sst s25  }
0xa8: {  	s7 =	sshll.u32 s26, $0x1;
	_ =	strace $0x80000046;
	[dreg:$0x1] =	wrdreg $0xFFFFFFFF  }
0xa9: {  	s28 =	simm.s32 $_size_execute0_lowered;
	s5 =	sadd.s32 s5, s7;
	[dreg:$0x0] =	wrdreg $0x0  }
0xaa: {  	s7 =	sshll.u32 s28, $0x1;
	[dreg:$0x2] =	wrdreg s5  }
0xab: {  	[dreg:$0x3] =	wrdreg s7  }
0xac: {  	[dreg:$0x4] =	wrdreg $0xC0  }
0xad: {  	_ =	task [dreg:s9], $0x5FFFF  }
0xae: {  	[dreg:$0x1] =	wrdreg $0xFFFFFFFF  }
0xaf: {  	[dreg:$0x0] =	wrdreg $0x60  }
0xb0: {  	[dreg:$0x2] =	wrdreg s4  }
0xb1: {  	[dreg:$0x3] =	wrdreg s2  }
0xb2: {  	[dreg:$0x4] =	wrdreg s18  }
0xb3: {  	[dreg:$0x5] =	wrdreg s24  }
0xb4: {  	[dreg:$0x6] =	wrdreg $0x0  }
0xb5: {  	[dreg:$0x7] =	wrdreg $0x9  }
0xb6: {  	_ =	task.clear_ibuf [dreg:s9], $0x8FFFF;
	_ =	strace $0x90000046  }
0xb7: {  	s29 =	simm.s32 $0x9;
	_ =	strace $0x80000048  }
0xb8: {  	_ =	swait.ge [sflag:s29], $0x1  }
0xb9: {  	[sflag:s29] =	ssyncadd.s32 $0xFFFFFFFF  }
0xba: {  	_ =	strace $0x90000048  }
0xbb: {  	_ =	sfence  }
0xbc: {  	s30 =	sld [smem:$0x0];
	_ =	sdelay $0x2  }
0xbd: {  	s31 =	sshll.u32 s1, $0xD;
	s1 =	sshrl.u32 s1, $0x2  }
0xbe: {  	s3 =	sand.u32 $0x4000, s31;
	s1 =	sadd.s32 s1, s30  }
0xbf: {  	s0 =	sor.u32 s3, s0;
	s1 =	sshll.u32 s1, $0x11  }
0xc0: {  	s0 =	sor.u32 s1, s0  }
0xc1: {  	s0 =	sadd.s32 $0x8F2B, s0  }
0xc2: {  	[sflag:s0] =	ssyncadd.remote.s32 $0x1  }
0xc3: {  	_ =	sfence.sel $0xFFFF  }
0xc4: {  	[dreg:$0x0] =	wrdreg $0xFFFFFFFF;
	(pc) =	sbr.abs _section_cstart, $3  }
0xc5: {  	[dreg:$0x1] =	wrdreg $0xFFFFFFFF  }
0xc6: {  	_ =	task.clear_ibuf [dreg:s9], $0x2FFFF;
	_ =	strace $0x9FFFFFFF  }
0xc7: {  	(tm) =	ssettm $0x7FFFFFFF  }
tec
execute0_lowered:
.L_overlay_start_1:
0x0: {  	(tag) =	ssettag $0x1  }
0x1: {  	s5 =	rddreg [dreg:$0x0]  }
0x2: {  	s1 =	rddreg [dreg:$0x1]  }
0x3: {  	s2 =	rddreg [dreg:$0x2]  }
0x4: {  	s6 =	rddreg [dreg:$0x3]  }
0x5: {  	s3 =	rddreg [dreg:$0x4]  }
0x6: {  	s7 =	srdreg.scid;
	s9 =	stileid.u32  }
0x7: {  	s4 =	simm.s32 $0x0;
	s14 =	simm.s32 $0x328;
	s15 =	simm.s32 $0x64  }
0x8: {  	s16 =	simm.s32 $0x83A8;
	s17 =	simm.s32 $0x3A8;
	s18 =	simm.s32 $0xB5A8  }
0x9: {  	s19 =	simm.s32 $0x1;
	s20 =	simm.s32 $0xEBA8;
	s21 =	simm.s32 $0x11DA8  }
0xa: {  	s22 =	simm.s32 $0x2;
	s23 =	simm.s32 $0x3;
	s24 =	simm.s32 $0x8228  }
0xb: {  	s8 =	sand.u32 $0x1, s7;
	s25 =	sshll.u32 s9, $0x1;
	[smem:$0x7FF] =	sst s4  }
0xc: {  	s13 =	sadd.s32 $0x400, s6;
	s29 =	smul.u32 $0xD0000, s9;
	p0 =	sne.s32 s9, $0x0  }
0xd: {  	s10 =	ssub.s32 $0x2, s8;
	s7 =	sor.u32 s8, s25;
	_ =	strace $0x80000047  }
0xe: {  	s30 =	smul.u32 $0x68000, s8;
	s25 =	simm.s32 $0x82A8;
	s11 =	sshrl.u32 s10, $0x1  }
0xf: {  	s12 =	smul.u32 $0x68000, s7;
	s7 =	sshll.u32 s7, $0xC;
	s31 =	sadd.s32 s29, s13  }
0x10: {  	s26 =	ssub.s32 s10, s11;
	s5 =	sadd.s32 s5, s7;
	s9 =	sadd.s32 s30, s31  }
0x11: {  	s10 =	sshrl.u32 @!p0 s3, $0x3;
	s11 =	simm.s32 $0x8328;
	s28 =	sadd.s32 s13, s12  }
0x12: {  	s6 =	smax.u32 s26, $0x1;
	s12 =	simm.s32 $0x4;
	s13 =	simm.s32 $0xEB28  }
0x13: {  	s26 =	simm.s32 $0x0;
	s7 =	sadd.s32 $0x66600, s28;
	s8 =	sadd.s32 $0x67300, s28  }
.LBB2_1:
0x14: {  	s28 =	simm.s32 @!p0 $0x1C04  }
0x15: {  	[spmem:s10], [sflag:s28] =	dma.local @!p0 [hbm:s1], $0x650  }
0x16: {  	s28 =	simm.s32 @!p0 $0x4  }
0x17: {  	_ =	swait.ge @!p0 [sflag:s28], $0x650  }
0x18: {  	[sflag:s28] =	ssyncset.done @!p0 $0x0  }
0x19: {  	[sflag:s28] =	ssyncadd.s32 @!p0 $0xFFFFF9B0  }
0x1a: {  	[tilespmem:s11], [sflag:$0x4] =	stream.linear.gather [hbm4b:s2+s4], $0x80, $0x38;
	[tilespmem:$0x15328] =	vst v63  }
0x1b: {  	_ =	swait.ge [sflag:s12], $0x80  }
0x1c: {  	[sflag:s12] =	ssyncset.done $0x0  }
0x1d: {  	[sflag:s12] =	ssyncadd.s32 $0xFFFFFF80  }
0x1e: {  	[tilespmem:s13], [sflag:$0x4] =	stream.linear.gather [hbm4b:s2+s4], $0x80, $0x38;
	[tilespmem:$0x15328] =	vst v63  }
0x1f: {  	_ =	swait.ge [sflag:s12], $0x80  }
0x20: {  	[sflag:s12] =	ssyncset.done $0x0  }
0x21: {  	[sflag:s12] =	ssyncadd.s32 $0xFFFFFF80  }
0x22: {  	[bflag:$0x0] =	sbarrier.arrive $0xFFFF  }
0x23: {  	[tilespmem:s14], [sflag:$0x4] =	stream.linear.gather [hbm4b:s5+s4], $0x8000, $0x38;
	[tilespmem:$0x15328] =	vst v63  }
0x24: {  	_ =	swait.ge [sflag:s12], $0x8000  }
0x25: {  	[sflag:s12] =	ssyncset.done $0x0  }
0x26: {  	[sflag:s12] =	ssyncadd.s32 $0xFFFF8000  }
0x27: {  	[tilespmem:s16], [sflag:$0x1] =	stream.indirect.gather [spmem:s3], $0x80, s14, s15, $0xb8;
	[tilespmem:$0x15328] =	vst v63  }
0x28: {  	_ = 	snop  }
0x29: {  	[tilespmem:s18], [sflag:$0x1] =	stream.indirect.gather [spmem:s3], $0x80, s17, s15, $0xb8;
	[tilespmem:$0x15328] =	vst v63  }
0x2a: {  	_ =	swait.ge [sflag:s19], $0x3200  }
0x2b: {  	[sflag:s19] =	ssyncset.done $0x0  }
0x2c: {  	[sflag:s19] =	ssyncadd.s32 $0xFFFFCE00  }
0x2d: {  	_ =	swait.ge [sflag:s19], $0x3200  }
0x2e: {  	[sflag:s19] =	ssyncset.done $0x0  }
0x2f: {  	[sflag:s19] =	ssyncadd.s32 $0xFFFFCE00  }
0x30: {  	[hbm4b:s9+s4] =	stream.linear.scatter [tilespmem:s11], [sflag:$0x2], $0x6480, $0x38;
	[tilespmem:$0x15328] =	vst v63  }
0x31: {  	s28 =	simm.s32 $0x428  }
0x32: {  	[tilespmem:s20], [sflag:$0x1] =	stream.indirect.gather [spmem:s3], $0x80, s28, s15, $0xb8;
	[tilespmem:$0x15328] =	vst v63  }
0x33: {  	s28 =	simm.s32 $0x4A8  }
0x34: {  	[tilespmem:s21], [sflag:$0x1] =	stream.indirect.gather [spmem:s3], $0x80, s28, s15, $0xb8;
	[tilespmem:$0x15328] =	vst v63  }
0x35: {  	_ =	swait.ge [sflag:s19], $0x3200  }
0x36: {  	[sflag:s19] =	ssyncset.done $0x0  }
0x37: {  	[sflag:s19] =	ssyncadd.s32 $0xFFFFCE00  }
0x38: {  	_ =	swait.ge [sflag:s19], $0x3200  }
0x39: {  	[sflag:s19] =	ssyncset.done $0x0  }
0x3a: {  	s28 =	sadd.s32 $0xD00, s9;
	[sflag:s19] =	ssyncadd.s32 $0xFFFFCE00  }
0x3b: {  	[hbm4b:s28+s4] =	stream.linear.scatter [tilespmem:s13], [sflag:$0x3], $0x6480, $0x38;
	[tilespmem:$0x15328] =	vst v63  }
0x3c: {  	_ =	swait.ge [sflag:s22], $0x6480  }
0x3d: {  	[sflag:s22] =	ssyncset.done $0x0  }
0x3e: {  	s28 =	simm.s32 $0x528;
	[sflag:s22] =	ssyncadd.s32 $0xFFFF9B80  }
0x3f: {  	[tilespmem:s16], [sflag:$0x1] =	stream.indirect.gather [spmem:s3], $0x80, s28, s15, $0xb8;
	[tilespmem:$0x15328] =	vst v63  }
0x40: {  	s28 =	simm.s32 $0x5A8  }
0x41: {  	[tilespmem:s18], [sflag:$0x1] =	stream.indirect.gather [spmem:s3], $0x80, s28, s15, $0xb8;
	[tilespmem:$0x15328] =	vst v63  }
0x42: {  	_ =	swait.ge [sflag:s19], $0x3200  }
0x43: {  	[sflag:s19] =	ssyncset.done $0x0  }
0x44: {  	[sflag:s19] =	ssyncadd.s32 $0xFFFFCE00  }
0x45: {  	_ =	swait.ge [sflag:s19], $0x3200  }
0x46: {  	[sflag:s19] =	ssyncset.done $0x0  }
0x47: {  	[sflag:s19] =	ssyncadd.s32 $0xFFFFCE00  }
0x48: {  	_ =	swait.ge [sflag:s23], $0x6480  }
0x49: {  	s29 =	simm.s32 $0x800;
	s28 =	sadd.s32 $0x1A00, s9;
	[sflag:s23] =	ssyncset.done $0x0  }
.LBB2_2:
0x4a: {  	s31 =	smov.u32 s29  }
0x4b: {  	s30 =	sshra.s32 s29, $0x2;
	[sflag:s23] =	ssyncadd.s32 $0xFFFF9B80;
	s31 =	sadd.s32 $0x800, s29  }
0x4c: {  	[hbm4b:s28+s4] =	stream.linear.scatter [tilespmem:s11], [sflag:$0x2], $0x6480, $0x38;
	[tilespmem:$0x15328] =	vst v63  }
0x4d: {  	p1 =	sne.s32 s29, $0x1F000;
	s0 =	sadd.s32 $0x428, s30  }
0x4e: {  	[tilespmem:s20], [sflag:$0x1] =	stream.indirect.gather [spmem:s3], $0x80, s0, s15, $0xb8;
	[tilespmem:$0x15328] =	vst v63  }
0x4f: {  	s0 =	sadd.s32 $0x4A8, s30  }
0x50: {  	[tilespmem:s21], [sflag:$0x1] =	stream.indirect.gather [spmem:s3], $0x80, s0, s15, $0xb8;
	[tilespmem:$0x15328] =	vst v63  }
0x51: {  	_ =	swait.ge [sflag:s19], $0x3200  }
0x52: {  	[sflag:s19] =	ssyncset.done $0x0  }
0x53: {  	[sflag:s19] =	ssyncadd.s32 $0xFFFFCE00  }
0x54: {  	_ =	swait.ge [sflag:s19], $0x3200  }
0x55: {  	[sflag:s19] =	ssyncset.done $0x0  }
0x56: {  	s0 =	sadd.s32 $0xD00, s28;
	[sflag:s19] =	ssyncadd.s32 $0xFFFFCE00  }
0x57: {  	[hbm4b:s0+s4] =	stream.linear.scatter [tilespmem:s13], [sflag:$0x3], $0x6480, $0x38;
	[tilespmem:$0x15328] =	vst v63  }
0x58: {  	_ =	swait.ge [sflag:s22], $0x6480  }
0x59: {  	[sflag:s22] =	ssyncset.done $0x0  }
0x5a: {  	s0 =	sadd.s32 $0x528, s30;
	[sflag:s22] =	ssyncadd.s32 $0xFFFF9B80  }
0x5b: {  	[tilespmem:s16], [sflag:$0x1] =	stream.indirect.gather [spmem:s3], $0x80, s0, s15, $0xb8;
	[tilespmem:$0x15328] =	vst v63  }
0x5c: {  	s0 =	sadd.s32 $0x5A8, s30  }
0x5d: {  	[tilespmem:s18], [sflag:$0x1] =	stream.indirect.gather [spmem:s3], $0x80, s0, s15, $0xb8;
	[tilespmem:$0x15328] =	vst v63  }
0x5e: {  	_ =	swait.ge [sflag:s19], $0x3200  }
0x5f: {  	[sflag:s19] =	ssyncset.done $0x0  }
0x60: {  	[sflag:s19] =	ssyncadd.s32 $0xFFFFCE00  }
.Ltmp0:
0x61: {  	_ =	swait.ge [sflag:s19], $0x3200;
	(pc) =	sbr.rel @p1 .LBB2_2-.Ltmp0, $4  }
0x62: {  	[sflag:s19] =	ssyncset.done $0x0  }
0x63: {  	[sflag:s19] =	ssyncadd.s32 $0xFFFFCE00  }
0x64: {  	_ =	swait.ge [sflag:s23], $0x6480  }
0x65: {  	s29 =	smov.u32 s31;
	s28 =	sadd.s32 $0x1A00, s28;
	[sflag:s23] =	ssyncset.done $0x0  }
0x66: {  	[sflag:s23] =	ssyncadd.s32 $0xFFFF9B80  }
0x67: {  	[hbm4b:s7+s4] =	stream.linear.scatter [tilespmem:s11], [sflag:$0x2], $0x6480, $0x38;
	[tilespmem:$0x15328] =	vst v63  }
0x68: {  	_ = 	snop  }
0x69: {  	[tilespmem:s20], [sflag:$0x1] =	stream.indirect.gather [spmem:s3], $0x80, s24, s15, $0xb8;
	[tilespmem:$0x15328] =	vst v63  }
0x6a: {  	_ = 	snop  }
0x6b: {  	[tilespmem:s21], [sflag:$0x1] =	stream.indirect.gather [spmem:s3], $0x80, s25, s15, $0xb8;
	[tilespmem:$0x15328] =	vst v63  }
0x6c: {  	_ =	swait.ge [sflag:s19], $0x3200  }
0x6d: {  	[sflag:s19] =	ssyncset.done $0x0  }
0x6e: {  	[sflag:s19] =	ssyncadd.s32 $0xFFFFCE00  }
0x6f: {  	_ =	swait.ge [sflag:s19], $0x3200  }
0x70: {  	[sflag:s19] =	ssyncset.done $0x0  }
0x71: {  	s26 =	sadd.s32 $0x1, s26;
	[sflag:s19] =	ssyncadd.s32 $0xFFFFCE00  }
0x72: {  	[hbm4b:s8+s4] =	stream.linear.scatter [tilespmem:s13], [sflag:$0x3], $0x6480, $0x38;
	[tilespmem:$0x15328] =	vst v63  }
0x73: {  	p1 =	sne.s32 s26, s6;
	_ =	swait.ge [sflag:s22], $0x6480  }
.Ltmp1:
0x74: {  	[sflag:s22] =	ssyncset.done $0x0;
	(pc) =	sbr.rel @p1 .LBB2_1-.Ltmp1, $4  }
0x75: {  	[sflag:s22] =	ssyncadd.s32 $0xFFFF9B80  }
0x76: {  	_ =	swait.ge [sflag:s23], $0x6480  }
0x77: {  	[sflag:s23] =	ssyncset.done $0x0  }
0x78: {  	[sflag:s23] =	ssyncadd.s32 $0xFFFF9B80  }
0x79: {  	_ =	sfence.sel $0x180000  }
0x7a: {  	[bflag:$0x0] =	sbarrier.arrive $0xFFFF  }
0x7b: {  	_ =	strace $0x90000047  }
0x7c: {  	[bflag:$0x2] =	sbarrier.arrive $0xFFFF  }
0x7d: {  	s0 =	rddreg [dreg:$0x5]  }
0x7e: {  	s0 =	sadd.s32 @!p0 $0x100000, s0  }
0x7f: {  	[sflag:s0] =	ssyncadd.tile.s32 @!p0 $0x1;
	_ =	shalt  }
.Lfunc_end2:
_tile_overlayer_lowered:
.L_overlay_start_2:
0x80: {  	(tag) =	ssettag $0x2  }
0x81: {  	s0 =	rddreg [dreg:$0x0];
	s2 =	stileid.u32  }
0x82: {  	s1 =	rddreg [dreg:$0x1];
	p0 =	sne.s32 s2, $0x0  }
0x83: {  	s3 =	rddreg [dreg:$0x2];
	[bflag:$0x3] =	sbarrier.arrive $0xFFFF;
	s2 =	simm.s32 @!p0 $0x1C04  }
0x84: {  	[timem:s3], [sflag:s2] =	dma.local @!p0 [hbm:s0], s1  }
0x85: {  	s0 =	simm.s32 @!p0 $0x4  }
0x86: {  	_ =	swait.ge @!p0 [sflag:s0], s1  }
0x87: {  	s1 =	ssub.s32 @!p0 $0x0, s1;
	[sflag:s0] =	ssyncset.done @!p0 $0x0  }
0x88: {  	[sflag:s0] =	ssyncadd.s32 @!p0 s1  }
0x89: {  	[bflag:$0x3] =	sbarrier.arrive $0xFFFF  }
0x8a: {  	_ =	shalt  }

</sc_bundles>
